<compile_context>
chip_gen: v7x
topology: tpu7x:2x2x1
jax: 0.10.2.dev20260603
libtpu: 0.0.44.dev20260713+nightly
codegen_flags: <defaults>
</compile_context>

<pallas_src>
import functools

import jax
import jax.numpy as jnp
from jax import lax
from jax.experimental import pallas as pl
from jax.experimental.pallas import tpu as pltpu
from jax.experimental.pallas import tpu_sc as plsc

D = 64
IMG_DIM = 1536
BATCH = 16384

_info = plsc.get_sparse_core_info()
_NC = _info.num_cores
_NS = _info.num_subcores
_NW = _NC * _NS
_BPW = BATCH // _NW

_sc_mesh = plsc.VectorSubcoreMesh(core_axis_name="c", subcore_axis_name="s")


@functools.partial(
    pl.kernel,
    mesh=_sc_mesh,
    out_type=jax.ShapeDtypeStruct((BATCH, D), jnp.float32),
    scratch_types=[
        pltpu.VMEM((_BPW,), jnp.int32),
        pltpu.SemaphoreType.DMA,
    ],
)
def _sc_gather(table_hbm, idx_hbm, out_hbm, idx_s, sem):
    wid = lax.axis_index("s") * _NC + lax.axis_index("c")
    base = wid * _BPW
    pltpu.sync_copy(idx_hbm.at[pl.ds(base, _BPW)], idx_s)

    def issue(g, _):
        grp = idx_s[pl.ds(g * 16, 16)]
        for j in range(16):
            u = grp[j]
            pltpu.async_copy(table_hbm.at[u], out_hbm.at[base + g * 16 + j], sem)
        return 0

    lax.fori_loop(0, _BPW // 16, issue, 0)

    def drain(k, _):
        pltpu.make_async_copy(table_hbm.at[0], out_hbm.at[base], sem).wait()
        return 0

    lax.fori_loop(0, _BPW, drain, 0)


_BM = 512


def _mm_body(x_ref, w_ref, b_ref, o_ref):
    o_ref[...] = (
        jnp.dot(x_ref[...], w_ref[...], preferred_element_type=jnp.float32)
        + b_ref[...]
    )


def _tc_matmul(images, Wt, b):
    return pl.pallas_call(
        _mm_body,
        grid=(BATCH // _BM,),
        in_specs=[
            pl.BlockSpec((_BM, IMG_DIM), lambda i: (i, 0)),
            pl.BlockSpec((IMG_DIM, D), lambda i: (0, 0)),
            pl.BlockSpec((1, D), lambda i: (0, 0)),
        ],
        out_specs=pl.BlockSpec((_BM, D), lambda i: (i, 0)),
        out_shape=jax.ShapeDtypeStruct((BATCH, D), jnp.float32),
    )(images, Wt, b.reshape(1, D))


def kernel(users, images, emb_table, W, b):
    u_emb = _sc_gather(emb_table, users.astype(jnp.int32))
    img_emb = _tc_matmul(images, W.T, b)
    return (u_emb, img_emb)

# --- scband reference (transcript-rebuilt; emitter-appended) ---
"""Pipeline reference for scband-image-autorship-embedding-block-10892037062701 (READ-ONLY COPY).

The authoritative reference and input builder live on the scoring server;
editing this copy changes nothing except your own understanding.
"""

import jax, jax.numpy as jnp
import numpy as np

D = 64
NUSERS = 1000000
BATCH = 16384
IMG_DIM = 1536

def setup_inputs(seed: int = 0) -> dict:
    key = jax.random.key(seed)
    k_users, k_images, k_emb, k_w, k_b = jax.random.split(key, 5)
    users = jax.random.randint(k_users, (BATCH,), 0, NUSERS, dtype=jnp.int64) if jax.config.jax_enable_x64 else jax.random.randint(k_users, (BATCH,), 0, NUSERS, dtype=jnp.int32)
    images = jax.random.normal(k_images, (BATCH, IMG_DIM), dtype=jnp.float32)
    # learned params: embedding table (nn.Embedding default N(0,1)) and Linear (fan-in uniform)
    emb_table = jax.random.normal(k_emb, (NUSERS, D), dtype=jnp.float32)
    bound = 1.0 / np.sqrt(IMG_DIM)
    W = jax.random.uniform(k_w, (D, IMG_DIM), dtype=jnp.float32, minval=-bound, maxval=bound)
    b = jax.random.uniform(k_b, (D,), dtype=jnp.float32, minval=-bound, maxval=bound)
    return {"users": users, "images": images, "emb_table": emb_table, "W": W, "b": b}

def reference(users, images, emb_table, W, b):
    # u_embeddings = self.u_emb(users)  -> gather rows of embedding table
    u_embeddings = jnp.take(emb_table, users, axis=0)
    # img_embeddings = self.img_fc(images) -> Linear: x @ W.T + b
    img_embeddings = images @ W.T + b
    return (u_embeddings, img_embeddings)

if __name__ == "__main__":
    import jax
    _d = setup_inputs()
    print(jax.jit(kernel)(*tuple(_d.values())))

</pallas_src>

<mosaic_0001>
#map = affine_map<(d0, d1) -> (0, 0)>
#map1 = affine_map<(d0, d1) -> (0)>
module attributes {stable_mosaic.version = 14 : i64} {
  func.func @_sc_gather(%arg0: i32, %arg1: i32, %arg2: memref<1000000x64xf32, #tpu.memory_space<hbm>>, %arg3: memref<16384xi32, #tpu.memory_space<hbm>>, %arg4: memref<16384x64xf32, #tpu.memory_space<hbm>>, %arg5: memref<512xi32, #tpu.memory_space<vmem>>, %arg6: memref<!tpu.dma_semaphore, #tpu.memory_space<semaphore_mem>>) attributes {dimension_semantics = [#tpu.dimension_semantics<core_parallel>, #tpu.dimension_semantics<subcore_parallel>], iteration_bounds = array<i64: 2, 16>, scalar_prefetch = 0 : i64, scratch_operands = 2 : i64, tpu.core_type = #tpu.core_type<sc_vector_subcore>, window_params = [{transform_indices = #map}, {transform_indices = #map1}, {transform_indices = #map}]} {
    %mul3A = arith.constant 2 : i32
    %mul3A_0 = arith.muli %arg1, %mul3A : i32
    %add3A = arith.addi %mul3A_0, %arg0 : i32
    %mul3A_1 = arith.constant 512 : i32
    %mul3A_2 = arith.muli %add3A, %mul3A_1 : i32
    "tpu.region"() ({
      %run_scoped3A = tpu.sem_alloc : memref<!tpu.dma_semaphore, #tpu.memory_space<semaphore_mem>>
      %dma_start3A = tpu.memref_slice %arg3[%mul3A_2] : memref<16384xi32, #tpu.memory_space<hbm>> -> memref<512xi32, #tpu.memory_space<hbm>>
      %dma_start3A_16 = tpu.memref_slice %arg3[%mul3A_2] : memref<16384xi32, #tpu.memory_space<hbm>> -> memref<512xi32, #tpu.memory_space<hbm>>
      tpu.enqueue_dma source(%dma_start3A_16 : memref<512xi32, #tpu.memory_space<hbm>>) target(%arg5 : memref<512xi32, #tpu.memory_space<vmem>>) target_semaphore(%run_scoped3A : memref<!tpu.dma_semaphore, #tpu.memory_space<semaphore_mem>>)
      %dma_wait3A = tpu.memref_slice %arg3[%mul3A_2] : memref<16384xi32, #tpu.memory_space<hbm>> -> memref<512xi32, #tpu.memory_space<hbm>>
      %dma_wait3A_17 = tpu.memref_slice %arg3[%mul3A_2] : memref<16384xi32, #tpu.memory_space<hbm>> -> memref<512xi32, #tpu.memory_space<hbm>>
      tpu.wait_dma2 semaphore(%run_scoped3A : memref<!tpu.dma_semaphore, #tpu.memory_space<semaphore_mem>>) src(%dma_wait3A_17 : memref<512xi32, #tpu.memory_space<hbm>>) dst(%arg5 : memref<512xi32, #tpu.memory_space<vmem>>)
      tpu.yield
    }) : () -> ()
    %scan3A = arith.constant 0 : i32
    %scan3A_3 = arith.constant 0 : i32
    %scan3A_4 = arith.constant 32 : i32
    %scan3A_5 = arith.addi %scan3A_3, %scan3A_4 : i32
    %scan3A_6 = arith.constant 1 : i32
    %scan3A_7 = scf.for %scan3A_16 = %scan3A_3 to %scan3A_5 step %scan3A_6 iter_args(%scan3A_17 = %scan3A) -> (i32)  : i32 {
      %mul3A_18 = arith.constant 16 : i32
      %mul3A_19 = arith.muli %scan3A_16, %mul3A_18 : i32
      %get3A = arith.index_cast %mul3A_19 : i32 to index
      %get3A_20 = tpu.vector_load %arg5[%get3A] {strides = array<i32>} : memref<512xi32, #tpu.memory_space<vmem>>, vector<16xi32>,
      %get3A_21 = vector.shape_cast %get3A_20 : vector<16xi32> to vector<16xi32>
      %slice3A = vector.extract_strided_slice %get3A_21 {offsets = [0], sizes = [1], strides = [1]} : vector<16xi32> to vector<1xi32>
      %squeeze3A = vector.extract %slice3A[0] : i32 from vector<1xi32>
      %mul3A_22 = arith.constant 16 : i32
      %mul3A_23 = arith.muli %scan3A_16, %mul3A_22 : i32
      %add3A_24 = arith.addi %mul3A_2, %mul3A_23 : i32
      %add3A_25 = arith.constant 0 : i32
      %add3A_26 = arith.addi %add3A_24, %add3A_25 : i32
      %dma_start3A = arith.constant 0 : i32
      %dma_start3A_27 = tpu.memref_slice %arg4[%add3A_26, %dma_start3A] : memref<16384x64xf32, #tpu.memory_space<hbm>> -> memref<1x64xf32, #tpu.memory_space<hbm>>
      %dma_start3A_28 = tpu.memref_squeeze %dma_start3A_27 : memref<1x64xf32, #tpu.memory_space<hbm>> -> memref<64xf32, #tpu.memory_space<hbm>>
      %dma_start3A_29 = arith.constant 0 : i32
      %dma_start3A_30 = tpu.memref_slice %arg2[%squeeze3A, %dma_start3A_29] : memref<1000000x64xf32, #tpu.memory_space<hbm>> -> memref<1x64xf32, #tpu.memory_space<hbm>>
      %dma_start3A_31 = tpu.memref_squeeze %dma_start3A_30 : memref<1x64xf32, #tpu.memory_space<hbm>> -> memref<64xf32, #tpu.memory_space<hbm>>
      tpu.enqueue_dma source(%dma_start3A_31 : memref<64xf32, #tpu.memory_space<hbm>>) target(%dma_start3A_28 : memref<64xf32, #tpu.memory_space<hbm>>) target_semaphore(%arg6 : memref<!tpu.dma_semaphore, #tpu.memory_space<semaphore_mem>>)
      %slice3A_32 = vector.extract_strided_slice %get3A_21 {offsets = [1], sizes = [1], strides = [1]} : vector<16xi32> to vector<1xi32>
      %squeeze3A_33 = vector.extract %slice3A_32[0] : i32 from vector<1xi32>
      %mul3A_34 = arith.constant 16 : i32
      %mul3A_35 = arith.muli %scan3A_16, %mul3A_34 : i32
      %add3A_36 = arith.addi %mul3A_2, %mul3A_35 : i32
      %add3A_37 = arith.constant 1 : i32
      %add3A_38 = arith.addi %add3A_36, %add3A_37 : i32
      %dma_start3A_39 = arith.constant 0 : i32
      %dma_start3A_40 = tpu.memref_slice %arg4[%add3A_38, %dma_start3A_39] : memref<16384x64xf32, #tpu.memory_space<hbm>> -> memref<1x64xf32, #tpu.memory_space<hbm>>
      %dma_start3A_41 = tpu.memref_squeeze %dma_start3A_40 : memref<1x64xf32, #tpu.memory_space<hbm>> -> memref<64xf32, #tpu.memory_space<hbm>>
      %dma_start3A_42 = arith.constant 0 : i32
      %dma_start3A_43 = tpu.memref_slice %arg2[%squeeze3A_33, %dma_start3A_42] : memref<1000000x64xf32, #tpu.memory_space<hbm>> -> memref<1x64xf32, #tpu.memory_space<hbm>>
      %dma_start3A_44 = tpu.memref_squeeze %dma_start3A_43 : memref<1x64xf32, #tpu.memory_space<hbm>> -> memref<64xf32, #tpu.memory_space<hbm>>
      tpu.enqueue_dma source(%dma_start3A_44 : memref<64xf32, #tpu.memory_space<hbm>>) target(%dma_start3A_41 : memref<64xf32, #tpu.memory_space<hbm>>) target_semaphore(%arg6 : memref<!tpu.dma_semaphore, #tpu.memory_space<semaphore_mem>>)
      %slice3A_45 = vector.extract_strided_slice %get3A_21 {offsets = [2], sizes = [1], strides = [1]} : vector<16xi32> to vector<1xi32>
      %squeeze3A_46 = vector.extract %slice3A_45[0] : i32 from vector<1xi32>
      %mul3A_47 = arith.constant 16 : i32
      %mul3A_48 = arith.muli %scan3A_16, %mul3A_47 : i32
      %add3A_49 = arith.addi %mul3A_2, %mul3A_48 : i32
      %add3A_50 = arith.constant 2 : i32
      %add3A_51 = arith.addi %add3A_49, %add3A_50 : i32
      %dma_start3A_52 = arith.constant 0 : i32
      %dma_start3A_53 = tpu.memref_slice %arg4[%add3A_51, %dma_start3A_52] : memref<16384x64xf32, #tpu.memory_space<hbm>> -> memref<1x64xf32, #tpu.memory_space<hbm>>
      %dma_start3A_54 = tpu.memref_squeeze %dma_start3A_53 : memref<1x64xf32, #tpu.memory_space<hbm>> -> memref<64xf32, #tpu.memory_space<hbm>>
      %dma_start3A_55 = arith.constant 0 : i32
      %dma_start3A_56 = tpu.memref_slice %arg2[%squeeze3A_46, %dma_start3A_55] : memref<1000000x64xf32, #tpu.memory_space<hbm>> -> memref<1x64xf32, #tpu.memory_space<hbm>>
      %dma_start3A_57 = tpu.memref_squeeze %dma_start3A_56 : memref<1x64xf32, #tpu.memory_space<hbm>> -> memref<64xf32, #tpu.memory_space<hbm>>
      tpu.enqueue_dma source(%dma_start3A_57 : memref<64xf32, #tpu.memory_space<hbm>>) target(%dma_start3A_54 : memref<64xf32, #tpu.memory_space<hbm>>) target_semaphore(%arg6 : memref<!tpu.dma_semaphore, #tpu.memory_space<semaphore_mem>>)
      %slice3A_58 = vector.extract_strided_slice %get3A_21 {offsets = [3], sizes = [1], strides = [1]} : vector<16xi32> to vector<1xi32>
      %squeeze3A_59 = vector.extract %slice3A_58[0] : i32 from vector<1xi32>
      %mul3A_60 = arith.constant 16 : i32
      %mul3A_61 = arith.muli %scan3A_16, %mul3A_60 : i32
      %add3A_62 = arith.addi %mul3A_2, %mul3A_61 : i32
      %add3A_63 = arith.constant 3 : i32
      %add3A_64 = arith.addi %add3A_62, %add3A_63 : i32
      %dma_start3A_65 = arith.constant 0 : i32
      %dma_start3A_66 = tpu.memref_slice %arg4[%add3A_64, %dma_start3A_65] : memref<16384x64xf32, #tpu.memory_space<hbm>> -> memref<1x64xf32, #tpu.memory_space<hbm>>
      %dma_start3A_67 = tpu.memref_squeeze %dma_start3A_66 : memref<1x64xf32, #tpu.memory_space<hbm>> -> memref<64xf32, #tpu.memory_space<hbm>>
      %dma_start3A_68 = arith.constant 0 : i32
      %dma_start3A_69 = tpu.memref_slice %arg2[%squeeze3A_59, %dma_start3A_68] : memref<1000000x64xf32, #tpu.memory_space<hbm>> -> memref<1x64xf32, #tpu.memory_space<hbm>>
      %dma_start3A_70 = tpu.memref_squeeze %dma_start3A_69 : memref<1x64xf32, #tpu.memory_space<hbm>> -> memref<64xf32, #tpu.memory_space<hbm>>
      tpu.enqueue_dma source(%dma_start3A_70 : memref<64xf32, #tpu.memory_space<hbm>>) target(%dma_start3A_67 : memref<64xf32, #tpu.memory_space<hbm>>) target_semaphore(%arg6 : memref<!tpu.dma_semaphore, #tpu.memory_space<semaphore_mem>>)
      %slice3A_71 = vector.extract_strided_slice %get3A_21 {offsets = [4], sizes = [1], strides = [1]} : vector<16xi32> to vector<1xi32>
      %squeeze3A_72 = vector.extract %slice3A_71[0] : i32 from vector<1xi32>
      %mul3A_73 = arith.constant 16 : i32
      %mul3A_74 = arith.muli %scan3A_16, %mul3A_73 : i32
      %add3A_75 = arith.addi %mul3A_2, %mul3A_74 : i32
      %add3A_76 = arith.constant 4 : i32
      %add3A_77 = arith.addi %add3A_75, %add3A_76 : i32
      %dma_start3A_78 = arith.constant 0 : i32
      %dma_start3A_79 = tpu.memref_slice %arg4[%add3A_77, %dma_start3A_78] : memref<16384x64xf32, #tpu.memory_space<hbm>> -> memref<1x64xf32, #tpu.memory_space<hbm>>
      %dma_start3A_80 = tpu.memref_squeeze %dma_start3A_79 : memref<1x64xf32, #tpu.memory_space<hbm>> -> memref<64xf32, #tpu.memory_space<hbm>>
      %dma_start3A_81 = arith.constant 0 : i32
      %dma_start3A_82 = tpu.memref_slice %arg2[%squeeze3A_72, %dma_start3A_81] : memref<1000000x64xf32, #tpu.memory_space<hbm>> -> memref<1x64xf32, #tpu.memory_space<hbm>>
      %dma_start3A_83 = tpu.memref_squeeze %dma_start3A_82 : memref<1x64xf32, #tpu.memory_space<hbm>> -> memref<64xf32, #tpu.memory_space<hbm>>
      tpu.enqueue_dma source(%dma_start3A_83 : memref<64xf32, #tpu.memory_space<hbm>>) target(%dma_start3A_80 : memref<64xf32, #tpu.memory_space<hbm>>) target_semaphore(%arg6 : memref<!tpu.dma_semaphore, #tpu.memory_space<semaphore_mem>>)
      %slice3A_84 = vector.extract_strided_slice %get3A_21 {offsets = [5], sizes = [1], strides = [1]} : vector<16xi32> to vector<1xi32>
      %squeeze3A_85 = vector.extract %slice3A_84[0] : i32 from vector<1xi32>
      %mul3A_86 = arith.constant 16 : i32
      %mul3A_87 = arith.muli %scan3A_16, %mul3A_86 : i32
      %add3A_88 = arith.addi %mul3A_2, %mul3A_87 : i32
      %add3A_89 = arith.constant 5 : i32
      %add3A_90 = arith.addi %add3A_88, %add3A_89 : i32
      %dma_start3A_91 = arith.constant 0 : i32
      %dma_start3A_92 = tpu.memref_slice %arg4[%add3A_90, %dma_start3A_91] : memref<16384x64xf32, #tpu.memory_space<hbm>> -> memref<1x64xf32, #tpu.memory_space<hbm>>
      %dma_start3A_93 = tpu.memref_squeeze %dma_start3A_92 : memref<1x64xf32, #tpu.memory_space<hbm>> -> memref<64xf32, #tpu.memory_space<hbm>>
      %dma_start3A_94 = arith.constant 0 : i32
      %dma_start3A_95 = tpu.memref_slice %arg2[%squeeze3A_85, %dma_start3A_94] : memref<1000000x64xf32, #tpu.memory_space<hbm>> -> memref<1x64xf32, #tpu.memory_space<hbm>>
      %dma_start3A_96 = tpu.memref_squeeze %dma_start3A_95 : memref<1x64xf32, #tpu.memory_space<hbm>> -> memref<64xf32, #tpu.memory_space<hbm>>
      tpu.enqueue_dma source(%dma_start3A_96 : memref<64xf32, #tpu.memory_space<hbm>>) target(%dma_start3A_93 : memref<64xf32, #tpu.memory_space<hbm>>) target_semaphore(%arg6 : memref<!tpu.dma_semaphore, #tpu.memory_space<semaphore_mem>>)
      %slice3A_97 = vector.extract_strided_slice %get3A_21 {offsets = [6], sizes = [1], strides = [1]} : vector<16xi32> to vector<1xi32>
      %squeeze3A_98 = vector.extract %slice3A_97[0] : i32 from vector<1xi32>
      %mul3A_99 = arith.constant 16 : i32
      %mul3A_100 = arith.muli %scan3A_16, %mul3A_99 : i32
      %add3A_101 = arith.addi %mul3A_2, %mul3A_100 : i32
      %add3A_102 = arith.constant 6 : i32
      %add3A_103 = arith.addi %add3A_101, %add3A_102 : i32
      %dma_start3A_104 = arith.constant 0 : i32
      %dma_start3A_105 = tpu.memref_slice %arg4[%add3A_103, %dma_start3A_104] : memref<16384x64xf32, #tpu.memory_space<hbm>> -> memref<1x64xf32, #tpu.memory_space<hbm>>
      %dma_start3A_106 = tpu.memref_squeeze %dma_start3A_105 : memref<1x64xf32, #tpu.memory_space<hbm>> -> memref<64xf32, #tpu.memory_space<hbm>>
      %dma_start3A_107 = arith.constant 0 : i32
      %dma_start3A_108 = tpu.memref_slice %arg2[%squeeze3A_98, %dma_start3A_107] : memref<1000000x64xf32, #tpu.memory_space<hbm>> -> memref<1x64xf32, #tpu.memory_space<hbm>>
      %dma_start3A_109 = tpu.memref_squeeze %dma_start3A_108 : memref<1x64xf32, #tpu.memory_space<hbm>> -> memref<64xf32, #tpu.memory_space<hbm>>
      tpu.enqueue_dma source(%dma_start3A_109 : memref<64xf32, #tpu.memory_space<hbm>>) target(%dma_start3A_106 : memref<64xf32, #tpu.memory_space<hbm>>) target_semaphore(%arg6 : memref<!tpu.dma_semaphore, #tpu.memory_space<semaphore_mem>>)
      %slice3A_110 = vector.extract_strided_slice %get3A_21 {offsets = [7], sizes = [1], strides = [1]} : vector<16xi32> to vector<1xi32>
      %squeeze3A_111 = vector.extract %slice3A_110[0] : i32 from vector<1xi32>
      %mul3A_112 = arith.constant 16 : i32
      %mul3A_113 = arith.muli %scan3A_16, %mul3A_112 : i32
      %add3A_114 = arith.addi %mul3A_2, %mul3A_113 : i32
      %add3A_115 = arith.constant 7 : i32
      %add3A_116 = arith.addi %add3A_114, %add3A_115 : i32
      %dma_start3A_117 = arith.constant 0 : i32
      %dma_start3A_118 = tpu.memref_slice %arg4[%add3A_116, %dma_start3A_117] : memref<16384x64xf32, #tpu.memory_space<hbm>> -> memref<1x64xf32, #tpu.memory_space<hbm>>
      %dma_start3A_119 = tpu.memref_squeeze %dma_start3A_118 : memref<1x64xf32, #tpu.memory_space<hbm>> -> memref<64xf32, #tpu.memory_space<hbm>>
      %dma_start3A_120 = arith.constant 0 : i32
      %dma_start3A_121 = tpu.memref_slice %arg2[%squeeze3A_111, %dma_start3A_120] : memref<1000000x64xf32, #tpu.memory_space<hbm>> -> memref<1x64xf32, #tpu.memory_space<hbm>>
      %dma_start3A_122 = tpu.memref_squeeze %dma_start3A_121 : memref<1x64xf32, #tpu.memory_space<hbm>> -> memref<64xf32, #tpu.memory_space<hbm>>
      tpu.enqueue_dma source(%dma_start3A_122 : memref<64xf32, #tpu.memory_space<hbm>>) target(%dma_start3A_119 : memref<64xf32, #tpu.memory_space<hbm>>) target_semaphore(%arg6 : memref<!tpu.dma_semaphore, #tpu.memory_space<semaphore_mem>>)
      %slice3A_123 = vector.extract_strided_slice %get3A_21 {offsets = [8], sizes = [1], strides = [1]} : vector<16xi32> to vector<1xi32>
      %squeeze3A_124 = vector.extract %slice3A_123[0] : i32 from vector<1xi32>
      %mul3A_125 = arith.constant 16 : i32
      %mul3A_126 = arith.muli %scan3A_16, %mul3A_125 : i32
      %add3A_127 = arith.addi %mul3A_2, %mul3A_126 : i32
      %add3A_128 = arith.constant 8 : i32
      %add3A_129 = arith.addi %add3A_127, %add3A_128 : i32
      %dma_start3A_130 = arith.constant 0 : i32
      %dma_start3A_131 = tpu.memref_slice %arg4[%add3A_129, %dma_start3A_130] : memref<16384x64xf32, #tpu.memory_space<hbm>> -> memref<1x64xf32, #tpu.memory_space<hbm>>
      %dma_start3A_132 = tpu.memref_squeeze %dma_start3A_131 : memref<1x64xf32, #tpu.memory_space<hbm>> -> memref<64xf32, #tpu.memory_space<hbm>>
      %dma_start3A_133 = arith.constant 0 : i32
      %dma_start3A_134 = tpu.memref_slice %arg2[%squeeze3A_124, %dma_start3A_133] : memref<1000000x64xf32, #tpu.memory_space<hbm>> -> memref<1x64xf32, #tpu.memory_space<hbm>>
      %dma_start3A_135 = tpu.memref_squeeze %dma_start3A_134 : memref<1x64xf32, #tpu.memory_space<hbm>> -> memref<64xf32, #tpu.memory_space<hbm>>
      tpu.enqueue_dma source(%dma_start3A_135 : memref<64xf32, #tpu.memory_space<hbm>>) target(%dma_start3A_132 : memref<64xf32, #tpu.memory_space<hbm>>) target_semaphore(%arg6 : memref<!tpu.dma_semaphore, #tpu.memory_space<semaphore_mem>>)
      %slice3A_136 = vector.extract_strided_slice %get3A_21 {offsets = [9], sizes = [1], strides = [1]} : vector<16xi32> to vector<1xi32>
      %squeeze3A_137 = vector.extract %slice3A_136[0] : i32 from vector<1xi32>
      %mul3A_138 = arith.constant 16 : i32
      %mul3A_139 = arith.muli %scan3A_16, %mul3A_138 : i32
      %add3A_140 = arith.addi %mul3A_2, %mul3A_139 : i32
      %add3A_141 = arith.constant 9 : i32
      %add3A_142 = arith.addi %add3A_140, %add3A_141 : i32
      %dma_start3A_143 = arith.constant 0 : i32
      %dma_start3A_144 = tpu.memref_slice %arg4[%add3A_142, %dma_start3A_143] : memref<16384x64xf32, #tpu.memory_space<hbm>> -> memref<1x64xf32, #tpu.memory_space<hbm>>
      %dma_start3A_145 = tpu.memref_squeeze %dma_start3A_144 : memref<1x64xf32, #tpu.memory_space<hbm>> -> memref<64xf32, #tpu.memory_space<hbm>>
      %dma_start3A_146 = arith.constant 0 : i32
      %dma_start3A_147 = tpu.memref_slice %arg2[%squeeze3A_137, %dma_start3A_146] : memref<1000000x64xf32, #tpu.memory_space<hbm>> -> memref<1x64xf32, #tpu.memory_space<hbm>>
      %dma_start3A_148 = tpu.memref_squeeze %dma_start3A_147 : memref<1x64xf32, #tpu.memory_space<hbm>> -> memref<64xf32, #tpu.memory_space<hbm>>
      tpu.enqueue_dma source(%dma_start3A_148 : memref<64xf32, #tpu.memory_space<hbm>>) target(%dma_start3A_145 : memref<64xf32, #tpu.memory_space<hbm>>) target_semaphore(%arg6 : memref<!tpu.dma_semaphore, #tpu.memory_space<semaphore_mem>>)
      %slice3A_149 = vector.extract_strided_slice %get3A_21 {offsets = [10], sizes = [1], strides = [1]} : vector<16xi32> to vector<1xi32>
      %squeeze3A_150 = vector.extract %slice3A_149[0] : i32 from vector<1xi32>
      %mul3A_151 = arith.constant 16 : i32
      %mul3A_152 = arith.muli %scan3A_16, %mul3A_151 : i32
      %add3A_153 = arith.addi %mul3A_2, %mul3A_152 : i32
      %add3A_154 = arith.constant 10 : i32
      %add3A_155 = arith.addi %add3A_153, %add3A_154 : i32
      %dma_start3A_156 = arith.constant 0 : i32
      %dma_start3A_157 = tpu.memref_slice %arg4[%add3A_155, %dma_start3A_156] : memref<16384x64xf32, #tpu.memory_space<hbm>> -> memref<1x64xf32, #tpu.memory_space<hbm>>
      %dma_start3A_158 = tpu.memref_squeeze %dma_start3A_157 : memref<1x64xf32, #tpu.memory_space<hbm>> -> memref<64xf32, #tpu.memory_space<hbm>>
      %dma_start3A_159 = arith.constant 0 : i32
      %dma_start3A_160 = tpu.memref_slice %arg2[%squeeze3A_150, %dma_start3A_159] : memref<1000000x64xf32, #tpu.memory_space<hbm>> -> memref<1x64xf32, #tpu.memory_space<hbm>>
      %dma_start3A_161 = tpu.memref_squeeze %dma_start3A_160 : memref<1x64xf32, #tpu.memory_space<hbm>> -> memref<64xf32, #tpu.memory_space<hbm>>
      tpu.enqueue_dma source(%dma_start3A_161 : memref<64xf32, #tpu.memory_space<hbm>>) target(%dma_start3A_158 : memref<64xf32, #tpu.memory_space<hbm>>) target_semaphore(%arg6 : memref<!tpu.dma_semaphore, #tpu.memory_space<semaphore_mem>>)
      %slice3A_162 = vector.extract_strided_slice %get3A_21 {offsets = [11], sizes = [1], strides = [1]} : vector<16xi32> to vector<1xi32>
      %squeeze3A_163 = vector.extract %slice3A_162[0] : i32 from vector<1xi32>
      %mul3A_164 = arith.constant 16 : i32
      %mul3A_165 = arith.muli %scan3A_16, %mul3A_164 : i32
      %add3A_166 = arith.addi %mul3A_2, %mul3A_165 : i32
      %add3A_167 = arith.constant 11 : i32
      %add3A_168 = arith.addi %add3A_166, %add3A_167 : i32
      %dma_start3A_169 = arith.constant 0 : i32
      %dma_start3A_170 = tpu.memref_slice %arg4[%add3A_168, %dma_start3A_169] : memref<16384x64xf32, #tpu.memory_space<hbm>> -> memref<1x64xf32, #tpu.memory_space<hbm>>
      %dma_start3A_171 = tpu.memref_squeeze %dma_start3A_170 : memref<1x64xf32, #tpu.memory_space<hbm>> -> memref<64xf32, #tpu.memory_space<hbm>>
      %dma_start3A_172 = arith.constant 0 : i32
      %dma_start3A_173 = tpu.memref_slice %arg2[%squeeze3A_163, %dma_start3A_172] : memref<1000000x64xf32, #tpu.memory_space<hbm>> -> memref<1x64xf32, #tpu.memory_space<hbm>>
      %dma_start3A_174 = tpu.memref_squeeze %dma_start3A_173 : memref<1x64xf32, #tpu.memory_space<hbm>> -> memref<64xf32, #tpu.memory_space<hbm>>
      tpu.enqueue_dma source(%dma_start3A_174 : memref<64xf32, #tpu.memory_space<hbm>>) target(%dma_start3A_171 : memref<64xf32, #tpu.memory_space<hbm>>) target_semaphore(%arg6 : memref<!tpu.dma_semaphore, #tpu.memory_space<semaphore_mem>>)
      %slice3A_175 = vector.extract_strided_slice %get3A_21 {offsets = [12], sizes = [1], strides = [1]} : vector<16xi32> to vector<1xi32>
      %squeeze3A_176 = vector.extract %slice3A_175[0] : i32 from vector<1xi32>
      %mul3A_177 = arith.constant 16 : i32
      %mul3A_178 = arith.muli %scan3A_16, %mul3A_177 : i32
      %add3A_179 = arith.addi %mul3A_2, %mul3A_178 : i32
      %add3A_180 = arith.constant 12 : i32
      %add3A_181 = arith.addi %add3A_179, %add3A_180 : i32
      %dma_start3A_182 = arith.constant 0 : i32
      %dma_start3A_183 = tpu.memref_slice %arg4[%add3A_181, %dma_start3A_182] : memref<16384x64xf32, #tpu.memory_space<hbm>> -> memref<1x64xf32, #tpu.memory_space<hbm>>
      %dma_start3A_184 = tpu.memref_squeeze %dma_start3A_183 : memref<1x64xf32, #tpu.memory_space<hbm>> -> memref<64xf32, #tpu.memory_space<hbm>>
      %dma_start3A_185 = arith.constant 0 : i32
      %dma_start3A_186 = tpu.memref_slice %arg2[%squeeze3A_176, %dma_start3A_185] : memref<1000000x64xf32, #tpu.memory_space<hbm>> -> memref<1x64xf32, #tpu.memory_space<hbm>>
      %dma_start3A_187 = tpu.memref_squeeze %dma_start3A_186 : memref<1x64xf32, #tpu.memory_space<hbm>> -> memref<64xf32, #tpu.memory_space<hbm>>
      tpu.enqueue_dma source(%dma_start3A_187 : memref<64xf32, #tpu.memory_space<hbm>>) target(%dma_start3A_184 : memref<64xf32, #tpu.memory_space<hbm>>) target_semaphore(%arg6 : memref<!tpu.dma_semaphore, #tpu.memory_space<semaphore_mem>>)
      %slice3A_188 = vector.extract_strided_slice %get3A_21 {offsets = [13], sizes = [1], strides = [1]} : vector<16xi32> to vector<1xi32>
      %squeeze3A_189 = vector.extract %slice3A_188[0] : i32 from vector<1xi32>
      %mul3A_190 = arith.constant 16 : i32
      %mul3A_191 = arith.muli %scan3A_16, %mul3A_190 : i32
      %add3A_192 = arith.addi %mul3A_2, %mul3A_191 : i32
      %add3A_193 = arith.constant 13 : i32
      %add3A_194 = arith.addi %add3A_192, %add3A_193 : i32
      %dma_start3A_195 = arith.constant 0 : i32
      %dma_start3A_196 = tpu.memref_slice %arg4[%add3A_194, %dma_start3A_195] : memref<16384x64xf32, #tpu.memory_space<hbm>> -> memref<1x64xf32, #tpu.memory_space<hbm>>
      %dma_start3A_197 = tpu.memref_squeeze %dma_start3A_196 : memref<1x64xf32, #tpu.memory_space<hbm>> -> memref<64xf32, #tpu.memory_space<hbm>>
      %dma_start3A_198 = arith.constant 0 : i32
      %dma_start3A_199 = tpu.memref_slice %arg2[%squeeze3A_189, %dma_start3A_198] : memref<1000000x64xf32, #tpu.memory_space<hbm>> -> memref<1x64xf32, #tpu.memory_space<hbm>>
      %dma_start3A_200 = tpu.memref_squeeze %dma_start3A_199 : memref<1x64xf32, #tpu.memory_space<hbm>> -> memref<64xf32, #tpu.memory_space<hbm>>
      tpu.enqueue_dma source(%dma_start3A_200 : memref<64xf32, #tpu.memory_space<hbm>>) target(%dma_start3A_197 : memref<64xf32, #tpu.memory_space<hbm>>) target_semaphore(%arg6 : memref<!tpu.dma_semaphore, #tpu.memory_space<semaphore_mem>>)
      %slice3A_201 = vector.extract_strided_slice %get3A_21 {offsets = [14], sizes = [1], strides = [1]} : vector<16xi32> to vector<1xi32>
      %squeeze3A_202 = vector.extract %slice3A_201[0] : i32 from vector<1xi32>
      %mul3A_203 = arith.constant 16 : i32
      %mul3A_204 = arith.muli %scan3A_16, %mul3A_203 : i32
      %add3A_205 = arith.addi %mul3A_2, %mul3A_204 : i32
      %add3A_206 = arith.constant 14 : i32
      %add3A_207 = arith.addi %add3A_205, %add3A_206 : i32
      %dma_start3A_208 = arith.constant 0 : i32
      %dma_start3A_209 = tpu.memref_slice %arg4[%add3A_207, %dma_start3A_208] : memref<16384x64xf32, #tpu.memory_space<hbm>> -> memref<1x64xf32, #tpu.memory_space<hbm>>
      %dma_start3A_210 = tpu.memref_squeeze %dma_start3A_209 : memref<1x64xf32, #tpu.memory_space<hbm>> -> memref<64xf32, #tpu.memory_space<hbm>>
      %dma_start3A_211 = arith.constant 0 : i32
      %dma_start3A_212 = tpu.memref_slice %arg2[%squeeze3A_202, %dma_start3A_211] : memref<1000000x64xf32, #tpu.memory_space<hbm>> -> memref<1x64xf32, #tpu.memory_space<hbm>>
      %dma_start3A_213 = tpu.memref_squeeze %dma_start3A_212 : memref<1x64xf32, #tpu.memory_space<hbm>> -> memref<64xf32, #tpu.memory_space<hbm>>
      tpu.enqueue_dma source(%dma_start3A_213 : memref<64xf32, #tpu.memory_space<hbm>>) target(%dma_start3A_210 : memref<64xf32, #tpu.memory_space<hbm>>) target_semaphore(%arg6 : memref<!tpu.dma_semaphore, #tpu.memory_space<semaphore_mem>>)
      %slice3A_214 = vector.extract_strided_slice %get3A_21 {offsets = [15], sizes = [1], strides = [1]} : vector<16xi32> to vector<1xi32>
      %squeeze3A_215 = vector.extract %slice3A_214[0] : i32 from vector<1xi32>
      %mul3A_216 = arith.constant 16 : i32
      %mul3A_217 = arith.muli %scan3A_16, %mul3A_216 : i32
      %add3A_218 = arith.addi %mul3A_2, %mul3A_217 : i32
      %add3A_219 = arith.constant 15 : i32
      %add3A_220 = arith.addi %add3A_218, %add3A_219 : i32
      %dma_start3A_221 = arith.constant 0 : i32
      %dma_start3A_222 = tpu.memref_slice %arg4[%add3A_220, %dma_start3A_221] : memref<16384x64xf32, #tpu.memory_space<hbm>> -> memref<1x64xf32, #tpu.memory_space<hbm>>
      %dma_start3A_223 = tpu.memref_squeeze %dma_start3A_222 : memref<1x64xf32, #tpu.memory_space<hbm>> -> memref<64xf32, #tpu.memory_space<hbm>>
      %dma_start3A_224 = arith.constant 0 : i32
      %dma_start3A_225 = tpu.memref_slice %arg2[%squeeze3A_215, %dma_start3A_224] : memref<1000000x64xf32, #tpu.memory_space<hbm>> -> memref<1x64xf32, #tpu.memory_space<hbm>>
      %dma_start3A_226 = tpu.memref_squeeze %dma_start3A_225 : memref<1x64xf32, #tpu.memory_space<hbm>> -> memref<64xf32, #tpu.memory_space<hbm>>
      tpu.enqueue_dma source(%dma_start3A_226 : memref<64xf32, #tpu.memory_space<hbm>>) target(%dma_start3A_223 : memref<64xf32, #tpu.memory_space<hbm>>) target_semaphore(%arg6 : memref<!tpu.dma_semaphore, #tpu.memory_space<semaphore_mem>>)
      %scan3A_227 = arith.constant 0 : i32
      scf.yield %scan3A_227 : i32
    }
    %scan3A_8 = arith.constant 32 : i32
    %scan3A_9 = arith.constant 0 : i32
    %scan3A_10 = arith.constant 0 : i32
    %scan3A_11 = arith.constant 512 : i32
    %scan3A_12 = arith.addi %scan3A_10, %scan3A_11 : i32
    %scan3A_13 = arith.constant 1 : i32
    %scan3A_14 = scf.for %scan3A_16 = %scan3A_10 to %scan3A_12 step %scan3A_13 iter_args(%scan3A_17 = %scan3A_9) -> (i32)  : i32 {
      %dma_wait3A = arith.constant 0 : i32
      %dma_wait3A_18 = arith.constant 0 : i32
      %dma_wait3A_19 = tpu.memref_slice %arg4[%mul3A_2, %dma_wait3A_18] : memref<16384x64xf32, #tpu.memory_space<hbm>> -> memref<1x64xf32, #tpu.memory_space<hbm>>
      %dma_wait3A_20 = tpu.memref_squeeze %dma_wait3A_19 : memref<1x64xf32, #tpu.memory_space<hbm>> -> memref<64xf32, #tpu.memory_space<hbm>>
      %dma_wait3A_21 = arith.constant 0 : i32
      %dma_wait3A_22 = tpu.memref_slice %arg2[%dma_wait3A, %dma_wait3A_21] : memref<1000000x64xf32, #tpu.memory_space<hbm>> -> memref<1x64xf32, #tpu.memory_space<hbm>>
      %dma_wait3A_23 = tpu.memref_squeeze %dma_wait3A_22 : memref<1x64xf32, #tpu.memory_space<hbm>> -> memref<64xf32, #tpu.memory_space<hbm>>
      tpu.wait_dma2 semaphore(%arg6 : memref<!tpu.dma_semaphore, #tpu.memory_space<semaphore_mem>>) src(%dma_wait3A_23 : memref<64xf32, #tpu.memory_space<hbm>>) dst(%dma_wait3A_20 : memref<64xf32, #tpu.memory_space<hbm>>)
      %scan3A_24 = arith.constant 0 : i32
      scf.yield %scan3A_24 : i32
    }
    %scan3A_15 = arith.constant 512 : i32
    return
  }
}

module attributes {stable_mosaic.version = 14 : i64} {
  func.func @_mm_body(%arg0: i32, %arg1: memref<512x1536xf32, #tpu.memory_space<vmem>>, %arg2: memref<1536x64xf32, #tpu.memory_space<vmem>>, %arg3: memref<1x64xf32, #tpu.memory_space<vmem>>, %arg4: memref<512x64xf32, #tpu.memory_space<vmem>>) attributes {dimension_semantics = [#tpu.dimension_semantics<arbitrary>], iteration_bounds = array<i64: 32>, scalar_prefetch = 0 : i64, scratch_operands = 0 : i64, tpu.core_type = #tpu.core_type<tc>, window_params = [{transform_indices = @transform_0, window_bounds = array<i64: 512, 1536>}, {pipeline_mode = #tpu.pipeline_mode<synchronous>, transform_indices = @transform_1, window_bounds = array<i64: 1536, 64>}, {pipeline_mode = #tpu.pipeline_mode<synchronous>, transform_indices = @transform_2, window_bounds = array<i64: 1, 64>}, {transform_indices = @transform_3, window_bounds = array<i64: 512, 64>}]} {
    %get3A = arith.constant 0 : index
    %get3A_0 = arith.constant 0 : index
    %get3A_1 = vector.load %arg1[%get3A, %get3A_0] : memref<512x1536xf32, #tpu.memory_space<vmem>>, vector<512x1536xf32>
    %get3A_2 = arith.constant 0 : index
    %get3A_3 = arith.constant 0 : index
    %get3A_4 = vector.load %arg2[%get3A_2, %get3A_3] : memref<1536x64xf32, #tpu.memory_space<vmem>>, vector<1536x64xf32>
    %dot_general3A = arith.constant dense<0.000000e+00> : vector<512x64xf32>
    %dot_general3A_5 = tpu.matmul %get3A_1, %get3A_4, %dot_general3A {dimension_numbers = #tpu.dot_dimension_numbers<[1], [0], [0], [1], [0, 0, 1, 1], [], []>, transpose_lhs_hint = false} : vector<512x1536xf32>, vector<1536x64xf32>, vector<512x64xf32> -> vector<512x64xf32>
    %get3A_6 = arith.constant 0 : index
    %get3A_7 = arith.constant 0 : index
    %get3A_8 = vector.load %arg3[%get3A_6, %get3A_7] : memref<1x64xf32, #tpu.memory_space<vmem>>, vector<1x64xf32>
    %add3A = vector.broadcast %get3A_8 : vector<1x64xf32> to vector<512x64xf32>
    %add3A_9 = arith.addf %dot_general3A_5, %add3A : vector<512x64xf32>
    %swap3A = arith.constant 0 : index
    %swap3A_10 = arith.constant 0 : index
    %swap3A_11 = vector.load %arg4[%swap3A, %swap3A_10] : memref<512x64xf32, #tpu.memory_space<vmem>>, vector<512x64xf32>
    tpu.vector_store %arg4[%swap3A, %swap3A_10], %add3A_9 {strides = array<i32>} : memref<512x64xf32, #tpu.memory_space<vmem>>, vector<512x64xf32>,
    return
  }
  func.func @transform_0(%arg0: i32) -> (i32, i32) {
    %c0_i32 = arith.constant 0 : i32
    %c0_i32_0 = arith.constant 0 : i32
    return %arg0, %c0_i32 : i32, i32
  }
  func.func @transform_1(%arg0: i32) -> (i32, i32) {
    %c0_i32 = arith.constant 0 : i32
    %c0_i32_0 = arith.constant 0 : i32
    %c0_i32_1 = arith.constant 0 : i32
    return %c0_i32, %c0_i32_0 : i32, i32
  }
  func.func @transform_2(%arg0: i32) -> (i32, i32) {
    %c0_i32 = arith.constant 0 : i32
    %c0_i32_0 = arith.constant 0 : i32
    %c0_i32_1 = arith.constant 0 : i32
    return %c0_i32, %c0_i32_0 : i32, i32
  }
  func.func @transform_3(%arg0: i32) -> (i32, i32) {
    %c0_i32 = arith.constant 0 : i32
    %c0_i32_0 = arith.constant 0 : i32
    return %arg0, %c0_i32 : i32, i32
  }
}

</mosaic_0001>

<sc_bundles>
// kernel: kernel.4.cloned.1.call-start
scs
__scs_entry_jumppad:
0x0: {  	(pc) =	sbr.rel $0x88, $3  }
0x1: {  	(tag) =	ssettag $0x0;
	lr =	simm.s32 $0x1  }
0x2: {  	[smem:$0x3F9C] =	sst lr;
	_ =	strace $0xD0000000  }
0x3: {  	_ = 	snop  }
0x4: {  	_ = 	snop  }
0x5: {  	_ = 	snop  }
0x6: {  	_ = 	snop  }
0x7: {  	_ = 	snop  }
__scs_overlays_trampoline_lowered:
0x8: {  	[smem:$0x3FAB] =	sst s0  }
0x9: {  	[smem:$0x3FAC] =	sst s1  }
0xa: {  	[smem:$0x3FAD] =	sst s2  }
0xb: {  	[smem:$0x3FAE] =	sst s3  }
0xc: {  	[smem:$0x3FAF] =	sst s4  }
0xd: {  	[smem:$0x3FB0] =	sst s5  }
0xe: {  	[smem:$0x3FB1] =	sst s6  }
0xf: {  	[smem:$0x3FB2] =	sst s7  }
0x10: {  	[smem:$0x3FB3] =	sst s8  }
0x11: {  	[smem:$0x3FB4] =	sst s9;
	s0 =	simm.s32 @!p0 $0x0  }
0x12: {  	s1 =	sld [smem:$0x3F9A];
	s0 =	simm.s32 @p0 $0x1  }
0x13: {  	[smem:$0x3FB5] =	sst s0;
	s0 =	simm.s32 @!p1 $0x0  }
0x14: {  	s2 =	sld [smem:$0x3F99];
	s0 =	simm.s32 @p1 $0x1  }
0x15: {  	[smem:$0x3FB6] =	sst s0;
	s0 =	simm.s32 @!p2 $0x0  }
0x16: {  	s3 =	sld [smem:$0x3FDB];
	s0 =	simm.s32 @p2 $0x1  }
0x17: {  	s4 =	simm.s32 $0x1BF5;
	[smem:$0x3FB8] =	sst s0  }
0x18: {  	s0 =	sld [smem:$0x3F9B];
	_ =	swait.ge [sflag:s4], $0x0  }
0x19: {  	s7 =	sld [smem:$0x3F9C]  }
0x1a: {  	s8 =	sadd.s32 $0xFFFFE003, lr  }
0x1b: {  	s9 =	sadd.s32 $0xFFFFFEF7, lr;
	s5 =	simm.s32 $0xFFFFFFFF;
	p2 =	slt.u32 s8, $0xFFFFF086  }
0x1c: {  	p1 =	slt.u32 s9, $0xF7A;
	s5 =	simm.s32 @!p2 $0x0  }
0x1d: {  	s5 =	simm.s32 @p1 $0x1;
	p0 =	seq.s32 s7, s2  }
0x1e: {  	s7 =	smul.u32 @!p0 $0xF7A, s2;
	p2 =	seq.s32 @!p0 s5, $0x0  }
0x1f: {  	s9 =	smul.u32 $0xF7A, s1;
	s8 =	simm.s32 @!p0 $0x1BF5;
	p2 =	por !p2, p0  }
0x20: {  	[sflag:s8] =	ssyncset.s32 @!p0 $0xFFFFF086;
	s6 =	sadd.s32 @!p0 s3, s7;
	s7 =	simm.s32 @!p0 $0x108  }
0x21: {  	s3 =	sadd.s32 s3, s9;
	s6 =	sadd.s32 @!p0 $0x88, s6;
	s7 =	simm.s32 @p2 $0x1082  }
0x22: {  	[simem:s7], [sflag:s8] =	dma.local @!p0 [hbm:s6], $0xF7A  }
0x23: {  	s9 =	sor.u32 $0xD0000000, s2;
	s6 =	simm.s32 $0x108;
	_ =	swait.ge @!p0 [sflag:s8], $0x0  }
0x24: {  	s3 =	sadd.s32 $0x88, s3;
	s6 =	simm.s32 @!p1 $0x1082;
	[sflag:s4] =	ssyncset.s32 $0xFFFFF086  }
0x25: {  	[simem:s6], [sflag:s4] =	dma.local [hbm:s3], $0xF7A  }
0x26: {  	[smem:$0x3F9C] =	sst s1;
	(tag) =	ssettag s2;
	_ =	strace s9  }
0x27: {  	s1 =	sld [smem:$0x3FAC]  }
0x28: {  	s2 =	sld [smem:$0x3FAD]  }
0x29: {  	s4 =	sld [smem:$0x3FAF]  }
0x2a: {  	p0 =	seq.s32 s5, $0x0;
	s5 =	sld [smem:$0x3FB0]  }
0x2b: {  	s6 =	sld [smem:$0x3FB1]  }
0x2c: {  	s7 =	sld [smem:$0x3FB2]  }
0x2d: {  	s3 =	simm.s32 $0x108;
	s8 =	sld [smem:$0x3FB3]  }
0x2e: {  	s3 =	simm.s32 @!p0 $0x1082;
	s9 =	sld [smem:$0x3FB4]  }
0x2f: {  	lr =	sadd.s32 s0, s3;
	s0 =	sld [smem:$0x3FAB]  }
0x30: {  	s3 =	sld [smem:$0x3FAE]  }
0x31: {  	[smem:$0x3FB7] =	sst s10  }
0x32: {  	s10 =	sld [smem:$0x3FB5];
	_ =	sdelay $0x3  }
0x33: {  	p0 =	seq.s32 s10, $0x1;
	s10 =	sld [smem:$0x3FB7];
	_ =	sdelay $0x3  }
0x34: {  	[smem:$0x3FB7] =	sst s10  }
0x35: {  	s10 =	sld [smem:$0x3FB6];
	_ =	sdelay $0x3  }
0x36: {  	p1 =	seq.s32 s10, $0x1;
	s10 =	sld [smem:$0x3FB7];
	_ =	sdelay $0x3  }
0x37: {  	[smem:$0x3FB7] =	sst s10  }
0x38: {  	s10 =	sld [smem:$0x3FB8]  }
0x39: {  	_ = 	snop;
	(pc) =	sbr.ind lr, $3  }
0x3a: {  	_ = 	snop  }
0x3b: {  	_ = 	snop  }
0x3c: {  	p2 =	seq.s32 s10, $0x1;
	s10 =	sld [smem:$0x3FB7]  }
0x3d: {  	_ =	shalt  }
0x3e: {  	_ =	shalt  }
0x3f: {  	_ =	shalt  }
0x40: {  	_ =	shalt  }
0x41: {  	_ =	shalt  }
0x42: {  	_ =	shalt  }
0x43: {  	_ =	shalt  }
0x44: {  	_ =	shalt  }
0x45: {  	_ =	shalt  }
0x46: {  	_ =	shalt  }
0x47: {  	_ =	shalt  }
0x48: {  	_ =	shalt  }
0x49: {  	_ =	shalt  }
0x4a: {  	_ =	shalt  }
0x4b: {  	_ =	shalt  }
0x4c: {  	_ =	shalt  }
0x4d: {  	_ =	shalt  }
0x4e: {  	_ =	shalt  }
0x4f: {  	_ =	shalt  }
0x50: {  	_ =	shalt  }
0x51: {  	_ =	shalt  }
0x52: {  	_ =	shalt  }
0x53: {  	_ =	shalt  }
0x54: {  	_ =	shalt  }
0x55: {  	_ =	shalt  }
0x56: {  	_ =	shalt  }
0x57: {  	_ =	shalt  }
0x58: {  	_ =	shalt  }
0x59: {  	_ =	shalt  }
0x5a: {  	_ =	shalt  }
0x5b: {  	_ =	shalt  }
0x5c: {  	_ =	shalt  }
0x5d: {  	_ =	shalt  }
0x5e: {  	_ =	shalt  }
0x5f: {  	_ =	shalt  }
0x60: {  	_ =	shalt  }
0x61: {  	_ =	shalt  }
0x62: {  	_ =	shalt  }
0x63: {  	_ =	shalt  }
0x64: {  	_ =	shalt  }
0x65: {  	_ =	shalt  }
0x66: {  	_ =	shalt  }
0x67: {  	_ =	shalt  }
0x68: {  	_ =	shalt  }
0x69: {  	_ =	shalt  }
0x6a: {  	_ =	shalt  }
0x6b: {  	_ =	shalt  }
0x6c: {  	_ =	shalt  }
0x6d: {  	_ =	shalt  }
0x6e: {  	_ =	shalt  }
0x6f: {  	_ =	shalt  }
0x70: {  	_ =	shalt  }
0x71: {  	_ =	shalt  }
0x72: {  	_ =	shalt  }
0x73: {  	_ =	shalt  }
0x74: {  	_ =	shalt  }
0x75: {  	_ =	shalt  }
0x76: {  	_ =	shalt  }
0x77: {  	_ =	shalt  }
0x78: {  	_ =	shalt  }
0x79: {  	_ =	shalt  }
0x7a: {  	_ =	shalt  }
0x7b: {  	_ =	shalt  }
0x7c: {  	_ =	shalt  }
0x7d: {  	_ =	shalt  }
0x7e: {  	_ =	shalt  }
0x7f: {  	_ =	shalt  }
0x80: {  	_ =	shalt  }
0x81: {  	_ =	shalt  }
0x82: {  	_ =	shalt  }
0x83: {  	_ =	shalt  }
0x84: {  	_ =	shalt  }
0x85: {  	_ =	shalt  }
0x86: {  	_ =	shalt  }
0x87: {  	_ =	shalt  }
.Lfunc_end0:
.L_simem_size_0:
called_computation_lowered:
.L_overlay_start_0:
0x88: {  	s2 =	sld [smem:$0x3FD9]  }
0x89: {  	s3 =	sld [smem:$0x3FFE];
	_ =	sdelay $0x1  }
0x8a: {  	s1 =	srdreg.scid  }
0x8b: {  	s0 =	sand.u32 $0x1, s1  }
0x8c: {  	s17 =	sshll.u32 s0, $0xA;
	s2 =	sadd.s32 s3, s2  }
0x8d: {  	s2 =	sadd.s32 s2, s17  }
0x8e: {  	[smem:$0x3FC3] =	sst s2  }
0x8f: {  	_ = 	snop  }
0x90: {  	s2 =	sld [smem:$0x3FC9];
	(tm) =	ssettm $0x1  }
0x91: {  	s18 =	sld [smem:$0x3FFB];
	_ =	sdelay $0x3  }
0x92: {  	_ =	strace s18  }
0x93: {  	s3 =	sld [smem:$0x3FFC];
	_ =	sdelay $0x3  }
0x94: {  	_ =	strace s3  }
0x95: {  	s3 =	sld [smem:$0x3FFD];
	_ =	sdelay $0x3  }
0x96: {  	_ =	strace s3  }
0x97: {  	_ =	strace $0x8FFFFFFF  }
0x98: {  	s19 =	sld [smem:$0x3FDB];
	_ =	sdelay $0x1  }
0x99: {  	s4 =	simm.s32 $_scs_section_size  }
0x9a: {  	s5 =	simm.s32 $_size__tile_overlayer_lowered;
	s6 =	simm.s32 $_tile_overlayer_lowered  }
0x9b: {  	s22 =	simm.s32 $0x1BFF;
	s21 =	sshll.u32 s6, $0x1;
	s3 =	sadd.s32 s4, s19  }
0x9c: {  	s7 =	simm.s32 $0x0;
	s20 =	sshll.u32 s5, $0x1;
	s5 =	sadd.s32 s21, s3  }
0x9d: {  	[timem:s7], [sflag:s22] =	dma.local [hbm:s5], s20  }
0x9e: {  	_ =	swait.ge [sflag:s22], s20  }
0x9f: {  	s4 =	ssub.s32 $0x0, s20;
	[sflag:s22] =	ssyncset.done $0x0  }
0xa0: {  	[sflag:s22] =	ssyncadd.s32 s4;
	_ =	sdelay $0x1  }
0xa1: {  	s23 =	simm.s32 $0x1B8B  }
0xa2: {  	_ =	swait.ge [sflag:s23], $0x1  }
0xa3: {  	[sflag:s23] =	ssyncset.done $0x0  }
0xa4: {  	s25 =	simm.s32 $0x1B8E;
	s24 =	sld [smem:$0x3FFE];
	[sflag:s23] =	ssyncadd.s32 $0xFFFFFFFF  }
0xa5: {  	s26 =	simm.s32 $execute0_lowered;
	[smem:$0x3FD2] =	sst s25  }
0xa6: {  	s5 =	sshll.u32 s26, $0x1;
	_ =	strace $0x80000046;
	[dreg:$0x1] =	wrdreg $0xFFFFFFFF  }
0xa7: {  	s28 =	simm.s32 $_size_execute0_lowered;
	s3 =	sadd.s32 s3, s5;
	[dreg:$0x0] =	wrdreg $0x0  }
0xa8: {  	s5 =	sshll.u32 s28, $0x1;
	[dreg:$0x2] =	wrdreg s3  }
0xa9: {  	[dreg:$0x3] =	wrdreg s5  }
0xaa: {  	[dreg:$0x4] =	wrdreg $0xC0  }
0xab: {  	_ =	task [dreg:s7], $0x5FFFF  }
0xac: {  	[dreg:$0x1] =	wrdreg $0xFFFFFFFF  }
0xad: {  	[dreg:$0x0] =	wrdreg $0x60  }
0xae: {  	[dreg:$0x2] =	wrdreg s24  }
0xaf: {  	[dreg:$0x3] =	wrdreg s2  }
0xb0: {  	[dreg:$0x4] =	wrdreg $0x9  }
0xb1: {  	_ =	task.clear_ibuf [dreg:s7], $0x5FFFF;
	_ =	strace $0x90000046  }
0xb2: {  	s29 =	simm.s32 $0x9;
	_ =	strace $0x80000048  }
0xb3: {  	_ =	swait.ge [sflag:s29], $0x1  }
0xb4: {  	[sflag:s29] =	ssyncadd.s32 $0xFFFFFFFF  }
0xb5: {  	_ =	strace $0x90000048  }
0xb6: {  	_ =	sfence  }
0xb7: {  	s30 =	sld [smem:$0x0];
	_ =	sdelay $0x2  }
0xb8: {  	s31 =	sshll.u32 s1, $0xD;
	s1 =	sshrl.u32 s1, $0x2  }
0xb9: {  	s3 =	sand.u32 $0x4000, s31;
	s1 =	sadd.s32 s1, s30  }
0xba: {  	s0 =	sor.u32 s3, s0;
	s1 =	sshll.u32 s1, $0x11  }
0xbb: {  	s0 =	sor.u32 s1, s0  }
0xbc: {  	s0 =	sadd.s32 $0x8F2B, s0  }
0xbd: {  	[sflag:s0] =	ssyncadd.remote.s32 $0x1  }
0xbe: {  	_ =	sfence.sel $0xFFFF  }
0xbf: {  	[dreg:$0x0] =	wrdreg $0xFFFFFFFF;
	(pc) =	sbr.abs _section_cstart, $3  }
0xc0: {  	[dreg:$0x1] =	wrdreg $0xFFFFFFFF  }
0xc1: {  	_ =	task.clear_ibuf [dreg:s7], $0x2FFFF;
	_ =	strace $0x9FFFFFFF  }
0xc2: {  	(tm) =	ssettm $0x7FFFFFFF  }
0xc3: {  	_ =	shalt  }
tec
execute0_lowered:
.L_overlay_start_1:
0x0: {  	(tag) =	ssettag $0x1  }
0x1: {  	s4 =	rddreg [dreg:$0x0]  }
0x2: {  	s5 =	rddreg [dreg:$0x1]  }
0x3: {  	s0 =	simm.s32 $0x0;
	s26 =	stileid.u32;
	s7 =	srdreg.scid  }
0x4: {  	[smem:$0x7FF] =	sst s0;
	s6 =	sshll.u32 s26, $0xE;
	s3 =	sadd.s32 $0x800, s4  }
0x5: {  	s28 =	sand.u32 $0x1, s7;
	s8 =	sshll.u32 s26, $0xA;
	_ =	strace $0x80000047  }
0x6: {  	s4 =	sadd.s32 s6, s4;
	s9 =	sshll.u32 s28, $0x9;
	s6 =	sshll.u32 s28, $0xD  }
0x7: {  	s7 =	ssub.s32 $0x2, s28;
	s8 =	sor.u32 s9, s8;
	s6 =	sadd.s32 s6, s4  }
0x8: {  	s29 =	sshrl.u32 s7, $0x1;
	s8 =	sshrl.u32 s8, $0x3;
	s6 =	sadd.s32 $0xF42C00, s6  }
0x9: {  	s7 =	ssub.s32 s7, s29;
	s1 =	sadd.s32 s5, s8;
	[dreg:$0x3] =	wrdreg s6  }
0xa: {  	s31 =	sshll.u32 s26, $0x6;
	s30 =	smax.u32 s7, $0x1;
	[dreg:$0x9] =	wrdreg s1  }
0xb: {  	s2 =	simm.s32 $0x0;
	s7 =	sor.u32 $0x1C01, s31;
	[dreg:$0xa] =	wrdreg s30  }
.LBB2_1:
0xc: {  	[dreg:$0xb] =	wrdreg s2  }
0xd: {  	s0 =	simm.s32 $0x0;
	s1 =	rddreg [dreg:$0x9];
	s22 =	simm.s32 $0x2  }
0xe: {  	[tilespmem:s0], [sflag:$0x2] =	stream.linear.gather [hbm4b:s1+s0], $0x200, $0x38;
	[tilespmem:$0x200] =	vst v63  }
0xf: {  	_ =	swait.ge [sflag:s22], $0x200  }
0x10: {  	[sflag:s22] =	ssyncset.done $0x0  }
0x11: {  	[sflag:s22] =	ssyncadd.s32 $0xFFFFFE00  }
0x12: {  	v0 =	vld [tilespmem:s0+$0x0];
	_ =	sdelay $0x4  }
0x13: {  	v0 =	vshll.u32 v0, $0x4  }
0x14: {  	(v2sf) =	vpush v0, $0x0  }
0x15: {  	(v2sf) =	vpush v0, $0xF  }
0x16: {  	(v2sf) =	vpush v0, $0x6  }
0x17: {  	(v2sf) =	vpush v0, $0x5  }
0x18: {  	(v2sf) =	vpush v0, $0xE;
	_ =	sdelay $0x4  }
0x19: {  	(v2sf) =	vpush v0, $0x9  }
0x1a: {  	(v2sf) =	vpush v0, $0xC  }
0x1b: {  	(v2sf) =	vpush v0, $0x2  }
0x1c: {  	s10 =	rddreg [dreg:$0x3];
	(v2sf) =	vpush v0, $0xB  }
0x1d: {  	s11 =	simm.s32 $0x100;
	s14 =	simm.s32 $0x10;
	s16 =	sadd.s32 $0x0, s10;
	(v2sf) =	vpush v0, $0xD  }
0x1e: {  	s19 =	sadd.s32 $0x80, s16;
	s6 =	sadd.s32 $0x40, s16;
	s31 =	sadd.s32 $0xF0, s16;
	(v2sf) =	vpush v0, $0x3  }
0x1f: {  	s18 =	sadd.s32 $0xD0, s16;
	s17 =	sadd.s32 $0xE0, s16;
	(v2sf) =	vpush v0, $0x7;
	s29 =	spop (v2sf)  }
0x20: {  	s30 =	sadd.s32 $0x70, s16;
	s28 =	sadd.s32 $0xA0, s16;
	(v2sf) =	vpush v0, $0x8;
	s22 =	spop (v2sf)  }
0x21: {  	s21 =	sadd.s32 $0xB0, s16;
	s20 =	sadd.s32 $0xC0, s16;
	(v2sf) =	vpush v0, $0x4;
	s23 =	spop (v2sf)  }
0x22: {  	s24 =	sadd.s32 $0x10, s16;
	(v2sf) =	vpush v0, $0x1;
	s26 =	sand.u32 $0x1FFFFFF0, s23;
	s23 =	spop (v2sf)  }
0x23: {  	s25 =	sand.u32 $0x1FFFFFF0, s22;
	(v2sf) =	vpush v0, $0xA;
	s23 =	sand.u32 $0x1FFFFFF0, s23;
	s22 =	spop (v2sf)  }
.LBB2_2:
0x24: {  	_ = 	snop  }
0x25: {  	[dreg:$0x5] =	wrdreg s30  }
0x26: {  	s0 =	sadd.s32 $0x30, s16;
	s12 =	sadd.s32 s3, s26;
	s26 =	sadd.s32 $0x20, s16  }
0x27: {  	s13 =	sadd.s32 s3, s25;
	s1 =	sand.u32 $0x1FFFFFF0, s29;
	s2 =	sadd.s32 $0x60, s16  }
0x28: {  	s4 =	sadd.s32 $0x50, s16;
	[dreg:$0x7] =	wrdreg s0;
	s30 =	spop (v2sf)  }
0x29: {  	s29 =	sadd.s32 $0x90, s16;
	[dreg:$0x6] =	wrdreg s12;
	s15 =	spop (v2sf)  }
0x2a: {  	s22 =	sand.u32 $0x1FFFFFF0, s22;
	[dreg:$0x4] =	wrdreg s13;
	s25 =	spop (v2sf)  }
0x2b: {  	s23 =	sadd.s32 s3, s23;
	[dreg:$0x8] =	wrdreg s2;
	s5 =	spop (v2sf)  }
0x2c: {  	s1 =	sadd.s32 s3, s1;
	s22 =	sadd.s32 s3, s22;
	s9 =	spop (v2sf)  }
0x2d: {  	s30 =	sand.u32 $0x1FFFFFF0, s30;
	s0 =	sand.u32 $0x1FFFFFF0, s15;
	s8 =	spop (v2sf)  }
0x2e: {  	s30 =	sadd.s32 s3, s30;
	s2 =	sand.u32 $0x1FFFFFF0, s25;
	s10 =	spop (v2sf)  }
0x2f: {  	s25 =	sadd.s32 s3, s0;
	s0 =	smov.u32 s17;
	s12 =	spop (v2sf)  }
0x30: {  	s5 =	sand.u32 $0x1FFFFFF0, s5;
	s2 =	sadd.s32 s3, s2;
	s13 =	spop (v2sf)  }
0x31: {  	s9 =	sand.u32 $0x1FFFFFF0, s9;
	s5 =	sadd.s32 s3, s5;
	s15 =	spop (v2sf)  }
0x32: {  	s8 =	sand.u32 $0x1FFFFFF0, s8;
	s9 =	sadd.s32 s3, s9;
	s15 =	sand.u32 $0x1FFFFFF0, s15  }
0x33: {  	s13 =	sand.u32 $0x1FFFFFF0, s13;
	s17 =	spop (v2sf);
	s15 =	sadd.s32 s3, s15  }
0x34: {  	[hbm:s16], [sflag:s7] =	dma.local [hbm:s1], $0x10  }
0x35: {  	[hbm:s24], [sflag:s7] =	dma.local [hbm:s15], $0x10  }
0x36: {  	[hbm:s26], [sflag:s7] =	dma.local [hbm:s2], $0x10  }
0x37: {  	s8 =	sadd.s32 s3, s8;
	s13 =	sadd.s32 s3, s13;
	s2 =	rddreg [dreg:$0x7]  }
0x38: {  	[hbm:s2], [sflag:s7] =	dma.local [hbm:s8], $0x10  }
0x39: {  	[hbm:s6], [sflag:s7] =	dma.local [hbm:s13], $0x10  }
0x3a: {  	[hbm:s4], [sflag:s7] =	dma.local [hbm:s23], $0x10  }
0x3b: {  	s10 =	sand.u32 $0x1FFFFFF0, s10;
	s12 =	sand.u32 $0x1FFFFFF0, s12;
	s6 =	rddreg [dreg:$0x6]  }
0x3c: {  	s10 =	sadd.s32 s3, s10;
	s17 =	sand.u32 $0x1FFFFFF0, s17;
	s8 =	rddreg [dreg:$0x8]  }
0x3d: {  	[hbm:s8], [sflag:s7] =	dma.local [hbm:s6], $0x10  }
0x3e: {  	s12 =	sadd.s32 s3, s12;
	s17 =	sadd.s32 s3, s17;
	s1 =	rddreg [dreg:$0x5]  }
0x3f: {  	[hbm:s1], [sflag:s7] =	dma.local [hbm:s10], $0x10  }
0x40: {  	[hbm:s19], [sflag:s7] =	dma.local [hbm:s12], $0x10  }
0x41: {  	[hbm:s29], [sflag:s7] =	dma.local [hbm:s30], $0x10  }
0x42: {  	[hbm:s28], [sflag:s7] =	dma.local [hbm:s17], $0x10  }
0x43: {  	[hbm:s21], [sflag:s7] =	dma.local [hbm:s5], $0x10  }
0x44: {  	[hbm:s20], [sflag:s7] =	dma.local [hbm:s25], $0x10  }
0x45: {  	[hbm:s18], [sflag:s7] =	dma.local [hbm:s9], $0x10  }
0x46: {  	[hbm:s0], [sflag:s7] =	dma.local [hbm:s22], $0x10  }
0x47: {  	s0 =	rddreg [dreg:$0x4]  }
0x48: {  	[hbm:s31], [sflag:s7] =	dma.local [hbm:s0], $0x10  }
0x49: {  	v0 =	vld [tilespmem:s14+$0x0];
	_ =	sdelay $0x4  }
0x4a: {  	v0 =	vshll.u32 v0, $0x4  }
0x4b: {  	(v2sf) =	vpush v0, $0x0  }
0x4c: {  	(v2sf) =	vpush v0, $0xF  }
0x4d: {  	(v2sf) =	vpush v0, $0x6  }
0x4e: {  	(v2sf) =	vpush v0, $0x5  }
0x4f: {  	(v2sf) =	vpush v0, $0xE;
	_ =	sdelay $0x4  }
0x50: {  	(v2sf) =	vpush v0, $0x9  }
0x51: {  	(v2sf) =	vpush v0, $0xC  }
0x52: {  	s12 =	smov.u32 s11;
	s13 =	rddreg [dreg:$0x3];
	(v2sf) =	vpush v0, $0x2  }
0x53: {  	p0 =	sne.s32 s11, $0x1F00;
	s16 =	sadd.s32 s12, s13;
	(v2sf) =	vpush v0, $0xB  }
0x54: {  	s11 =	sadd.s32 $0x100, s11;
	s14 =	sadd.s32 $0x10, s14;
	s19 =	sadd.s32 $0x80, s16;
	(v2sf) =	vpush v0, $0xD  }
0x55: {  	s6 =	sadd.s32 $0x40, s16;
	s31 =	sadd.s32 $0xF0, s16;
	s18 =	sadd.s32 $0xD0, s16;
	(v2sf) =	vpush v0, $0x3  }
.Ltmp0:
0x56: {  	s17 =	sadd.s32 $0xE0, s16;
	(v2sf) =	vpush v0, $0x7;
	s29 =	spop (v2sf);
	(pc) =	sbr.rel @p0 .LBB2_2-.Ltmp0, $4  }
0x57: {  	s30 =	sadd.s32 $0x70, s16;
	s28 =	sadd.s32 $0xA0, s16;
	(v2sf) =	vpush v0, $0x8;
	s15 =	spop (v2sf)  }
0x58: {  	s21 =	sadd.s32 $0xB0, s16;
	s20 =	sadd.s32 $0xC0, s16;
	(v2sf) =	vpush v0, $0x4;
	s22 =	spop (v2sf)  }
0x59: {  	s24 =	sadd.s32 $0x10, s16;
	(v2sf) =	vpush v0, $0x1;
	s25 =	sand.u32 $0x1FFFFFF0, s15;
	s23 =	spop (v2sf)  }
0x5a: {  	(v2sf) =	vpush v0, $0xA;
	s26 =	sand.u32 $0x1FFFFFF0, s22;
	s23 =	sand.u32 $0x1FFFFFF0, s23;
	s22 =	spop (v2sf)  }
0x5b: {  	_ =	sdelay $0x3  }
0x5c: {  	s0 =	spop (v2sf)  }
0x5d: {  	s1 =	spop (v2sf)  }
0x5e: {  	s2 =	spop (v2sf)  }
0x5f: {  	s4 =	spop (v2sf)  }
0x60: {  	s5 =	spop (v2sf)  }
0x61: {  	s14 =	spop (v2sf)  }
0x62: {  	s8 =	spop (v2sf)  }
0x63: {  	s11 =	sand.u32 $0x1FFFFFF0, s29;
	s9 =	spop (v2sf)  }
0x64: {  	s11 =	sadd.s32 s3, s11;
	s2 =	sand.u32 $0x1FFFFFF0, s2;
	s10 =	spop (v2sf)  }
0x65: {  	s2 =	sadd.s32 s3, s2;
	s15 =	sand.u32 $0x1FFFFFF0, s14;
	s12 =	spop (v2sf)  }
0x66: {  	s14 =	sand.u32 $0x1FFFFFF0, s8;
	s13 =	spop (v2sf);
	s29 =	sand.u32 $0x1FFFFFF0, s12  }
0x67: {  	[hbm:s16], [sflag:s7] =	dma.local [hbm:s11], $0x10  }
0x68: {  	s12 =	sadd.s32 $0x20, s16;
	s11 =	sadd.s32 s3, s29;
	s29 =	sand.u32 $0x1FFFFFF0, s10  }
0x69: {  	[hbm:s24], [sflag:s7] =	dma.local [hbm:s11], $0x10  }
0x6a: {  	[hbm:s12], [sflag:s7] =	dma.local [hbm:s2], $0x10  }
0x6b: {  	s10 =	sadd.s32 s3, s23;
	s24 =	sadd.s32 $0x30, s16;
	s2 =	sadd.s32 s3, s15  }
0x6c: {  	[hbm:s24], [sflag:s7] =	dma.local [hbm:s2], $0x10  }
0x6d: {  	s11 =	sadd.s32 s3, s26;
	s12 =	sadd.s32 $0x60, s16;
	s2 =	sadd.s32 s3, s29  }
0x6e: {  	[hbm:s6], [sflag:s7] =	dma.local [hbm:s2], $0x10  }
0x6f: {  	s15 =	sand.u32 $0x1FFFFFF0, s9;
	s6 =	sadd.s32 $0x50, s16;
	s2 =	sadd.s32 s3, s14  }
0x70: {  	[hbm:s6], [sflag:s7] =	dma.local [hbm:s10], $0x10  }
0x71: {  	[hbm:s12], [sflag:s7] =	dma.local [hbm:s11], $0x10  }
0x72: {  	[hbm:s30], [sflag:s7] =	dma.local [hbm:s2], $0x10  }
0x73: {  	s0 =	sand.u32 $0x1FFFFFF0, s0;
	s2 =	sadd.s32 s3, s15  }
0x74: {  	[hbm:s19], [sflag:s7] =	dma.local [hbm:s2], $0x10  }
0x75: {  	s0 =	sadd.s32 s3, s0;
	s23 =	sand.u32 $0x1FFFFFF0, s13;
	s19 =	sadd.s32 $0x90, s16  }
0x76: {  	[hbm:s19], [sflag:s7] =	dma.local [hbm:s0], $0x10  }
0x77: {  	s24 =	sand.u32 $0x1FFFFFF0, s4;
	s0 =	sadd.s32 s3, s23  }
0x78: {  	[hbm:s28], [sflag:s7] =	dma.local [hbm:s0], $0x10  }
0x79: {  	s26 =	sand.u32 $0x1FFFFFF0, s1;
	s0 =	sadd.s32 s3, s24  }
0x7a: {  	[hbm:s21], [sflag:s7] =	dma.local [hbm:s0], $0x10  }
0x7b: {  	s28 =	sand.u32 $0x1FFFFFF0, s5;
	s0 =	sadd.s32 s3, s26  }
0x7c: {  	[hbm:s20], [sflag:s7] =	dma.local [hbm:s0], $0x10  }
0x7d: {  	s29 =	sand.u32 $0x1FFFFFF0, s22;
	s0 =	sadd.s32 s3, s28  }
0x7e: {  	[hbm:s18], [sflag:s7] =	dma.local [hbm:s0], $0x10  }
0x7f: {  	s1 =	simm.s32 $0x1;
	s30 =	sadd.s32 s3, s25;
	s0 =	sadd.s32 s3, s29  }
0x80: {  	[hbm:s17], [sflag:s7] =	dma.local [hbm:s0], $0x10  }
0x81: {  	[hbm:s31], [sflag:s7] =	dma.local [hbm:s30], $0x10  }
0x82: {  	_ =	swait.ge [sflag:s1], $0x10  }
0x83: {  	s10 =	simm.s32 $0x1FF;
	[sflag:s1] =	ssyncset.done $0x0  }
.LBB2_4:
0x84: {  	p0 =	sne.s32 s10, $0x1;
	s10 =	sadd.s32 $0xFFFFFFFF, s10;
	[sflag:s1] =	ssyncadd.s32 $0xFFFFFFF0  }
.Ltmp1:
0x85: {  	(pc) =	sbr.rel @p0 .LBB2_4-.Ltmp1, $3  }
0x86: {  	_ =	sdelay $0x1  }
0x87: {  	_ =	swait.ge [sflag:s1], $0x10  }
0x88: {  	[sflag:s1] =	ssyncset.done $0x0  }
0x89: {  	s2 =	rddreg [dreg:$0xb]  }
0x8a: {  	s0 =	rddreg [dreg:$0xa];
	s2 =	sadd.s32 $0x1, s2  }
0x8b: {  	p0 =	sne.s32 s2, s0  }
.Ltmp2:
0x8c: {  	_ = 	snop;
	(pc) =	sbr.rel @p0 .LBB2_1-.Ltmp2, $2  }
0x8d: {  	_ =	sdelay $0x2  }
0x8e: {  	[sflag:s1] =	ssyncadd.s32 $0xFFFFFFF0  }
0x8f: {  	_ =	sfence.sel $0x180000  }
0x90: {  	[bflag:$0x0] =	sbarrier.arrive $0xFFFF  }
0x91: {  	_ =	strace $0x90000047  }
0x92: {  	s0 =	stileid.u32;
	[bflag:$0x2] =	sbarrier.arrive $0xFFFF  }
0x93: {  	p0 =	sne.s32 s0, $0x0;
	s0 =	rddreg [dreg:$0x2]  }
0x94: {  	s0 =	sadd.s32 @!p0 $0x100000, s0  }
0x95: {  	[sflag:s0] =	ssyncadd.tile.s32 @!p0 $0x1;
	_ =	shalt  }
.Lfunc_end2:
_tile_overlayer_lowered:
.L_overlay_start_2:
0x96: {  	(tag) =	ssettag $0x2  }
0x97: {  	s0 =	rddreg [dreg:$0x0];
	s2 =	stileid.u32  }
0x98: {  	s1 =	rddreg [dreg:$0x1];
	p0 =	sne.s32 s2, $0x0  }
0x99: {  	s3 =	rddreg [dreg:$0x2];
	[bflag:$0x3] =	sbarrier.arrive $0xFFFF;
	s2 =	simm.s32 @!p0 $0x1C02  }
0x9a: {  	[timem:s3], [sflag:s2] =	dma.local @!p0 [hbm:s0], s1  }
0x9b: {  	s0 =	simm.s32 @!p0 $0x2  }
0x9c: {  	_ =	swait.ge @!p0 [sflag:s0], s1  }
0x9d: {  	s1 =	ssub.s32 @!p0 $0x0, s1;
	[sflag:s0] =	ssyncset.done @!p0 $0x0  }
0x9e: {  	[sflag:s0] =	ssyncadd.s32 @!p0 s1  }
0x9f: {  	[bflag:$0x3] =	sbarrier.arrive $0xFFFF  }
0xa0: {  	_ =	shalt  }

</sc_bundles>
